<compile_context>
chip_gen: v7x
topology: tpu7x:2x2x1
jax: 0.10.2.dev20260603
libtpu: 0.0.44.dev20260713+nightly
codegen_flags: <defaults>
</compile_context>

<pallas_src>
import jax
import jax.numpy as jnp
from jax import lax
from jax.experimental import pallas as pl
from jax.experimental.pallas import tpu as pltpu
from jax.experimental.pallas import tpu_sc as plsc

V = 32000
PAD = 0
N = 1600
NC = 2
NS = 16
L = 16
NW = NC * NS
PER_W = N // NW
SLOT = 64
CHUNKS = SLOT // L


def _loss_body(table_hbm, tgt_hbm, out_hbm, tgt_v, idx_v, red_v, buf_v, sem):
    cid = lax.axis_index("c")
    sid = lax.axis_index("s")
    wid = cid * NS + sid
    base = wid * PER_W

    pltpu.sync_copy(tgt_hbm.at[pl.ds(wid * SLOT, SLOT)], tgt_v)

    lanes = lax.iota(jnp.int32, L)
    for j in range(CHUNKS):
        k = j * L
        t = tgt_v[pl.ds(k, L)]
        valid = (k + lanes) < PER_W
        r = base + k + lanes
        p = ((r >> 3) * 2000) + ((t >> 7) << 3) + (r & 7)
        idx_v[pl.ds(k, L)] = jnp.where(valid, p, k + lanes)

    pltpu.async_copy(table_hbm.at[idx_v], buf_v, sem).wait()

    acc = jnp.zeros((L,), jnp.float32)
    for j in range(CHUNKS):
        k = j * L
        t = tgt_v[pl.ds(k, L)]
        valid = (k + lanes) < PER_W
        rows = k + lanes
        lane = jnp.where(valid, t & 127, 0)
        vals = plsc.load_gather(buf_v, [rows, lane])
        acc = acc - jnp.where(valid & (t != PAD), vals, 0.0)

    red_v[...] = acc
    pltpu.sync_copy(red_v, out_hbm.at[pl.ds(wid * L, L)])


def kernel(outputs, targets):
    table = outputs.reshape(200, 8, 250, 128).transpose(0, 2, 1, 3)
    table = table.reshape(N * V // 128, 128)
    tgt = jnp.ravel(targets).astype(jnp.int32)
    tgt = jnp.pad(tgt.reshape(NW, PER_W),
                  ((0, 0), (0, SLOT - PER_W))).reshape(-1)

    mesh = plsc.VectorSubcoreMesh(
        core_axis_name="c", subcore_axis_name="s",
        num_cores=NC, num_subcores=NS)
    run = pl.kernel(
        _loss_body,
        out_type=jax.ShapeDtypeStruct((NW * L,), jnp.float32),
        mesh=mesh,
        compiler_params=pltpu.CompilerParams(use_tc_tiling_on_sc=True,
                                             needs_layout_passes=False),
        scratch_types=[
            pltpu.VMEM((SLOT,), jnp.int32),
            pltpu.VMEM((SLOT,), jnp.int32),
            pltpu.VMEM((L,), jnp.float32),
            pltpu.VMEM((SLOT, 128), jnp.float32),
            pltpu.SemaphoreType.DMA,
        ],
    )
    out = run(table, tgt)
    return jnp.sum(out)

# --- scband reference (transcript-rebuilt; emitter-appended) ---
"""Pipeline reference for scband-nmtloss-func-28621662061232 (READ-ONLY COPY).

The authoritative reference and input builder live on the scoring server;
editing this copy changes nothing except your own understanding.
"""

import jax, jax.numpy as jnp
import numpy as np

V = 32000
PAD = 0
LABEL_SMOOTHING = 0.1
CONFIDENCE = 1.0 - LABEL_SMOOTHING


def setup_inputs(seed: int = 0) -> dict:
    key = jax.random.key(seed)
    k1, k2 = jax.random.split(key)
    outputs = jax.random.normal(k1, (50, 32, V), dtype=jnp.float32)
    targets = jax.random.randint(k2, (50, 32), 0, V, dtype=jnp.int64)
    return {"outputs": outputs, "targets": targets}


def reference(outputs, targets):
    # NMTLossFunc.forward with generator=None, backward=False, label_smoothing>0.
    # Sharding over time is a sum decomposition, so we compute it unsharded.
    scores = outputs.reshape(-1, V)           # [N, V] (log-scores / dist)
    gtruth = targets.reshape(-1)              # [N]
    N = gtruth.shape[0]

    # likelihood = gather(scores, 1, gtruth)
    likelihood = jnp.take_along_axis(scores, gtruth[:, None], axis=1)  # [N, 1]

    # smoothed one-hot buffer: ls/(V-2) everywhere, 0 at PAD column, confidence at target
    one_hot_row = jnp.full((V,), LABEL_SMOOTHING / (V - 2), dtype=jnp.float32)
    one_hot_row = one_hot_row.at[PAD].set(0.0)
    tmp = jnp.tile(one_hot_row[None, :], (N, 1))                        # [N, V]
    tmp = tmp.at[jnp.arange(N), gtruth].set(CONFIDENCE)                 # scatter dim 1

    # mask out padded target rows (index_fill_ with 0)
    pad_mask = (gtruth == PAD)[:, None]
    likelihood = jnp.where(pad_mask, 0.0, likelihood)
    tmp = jnp.where(pad_mask, 0.0, tmp)

    # KLDivLoss(size_average=False) = sum tmp * (log(tmp) - scores), 0*log(0)=0
    pos = tmp > 0
    log_t = jnp.where(pos, jnp.log(jnp.where(pos, tmp, 1.0)), 0.0)
    kl_loss = jnp.sum(tmp * (log_t - scores))  # the torch `loss` tensor (not returned)

    # forward returns loss_data = -likelihood.sum(0)[0] accumulated over shards
    loss_data = -jnp.sum(likelihood)
    return loss_data

if __name__ == "__main__":
    import jax
    _d = setup_inputs()
    print(jax.jit(kernel)(*tuple(_d.values())))

</pallas_src>

<mosaic_0001>
#map = affine_map<(d0, d1) -> (0, 0)>
#map1 = affine_map<(d0, d1) -> (0)>
module attributes {stable_mosaic.version = 14 : i64} {
  func.func @_loss_body(%arg0: i32, %arg1: i32, %arg2: memref<400000x128xf32, #tpu.memory_space<hbm>>, %arg3: memref<2048xi32, #tpu.memory_space<hbm>>, %arg4: memref<512xf32, #tpu.memory_space<hbm>>, %arg5: memref<64xi32, #tpu.memory_space<vmem>>, %arg6: memref<64xi32, #tpu.memory_space<vmem>>, %arg7: memref<16xf32, #tpu.memory_space<vmem>>, %arg8: memref<64x128xf32, #tpu.memory_space<vmem>>, %arg9: memref<!tpu.dma_semaphore, #tpu.memory_space<semaphore_mem>>) attributes {dimension_semantics = [#tpu.dimension_semantics<core_parallel>, #tpu.dimension_semantics<subcore_parallel>], iteration_bounds = array<i64: 2, 16>, scalar_prefetch = 0 : i64, scratch_operands = 5 : i64, tpu.core_type = #tpu.core_type<sc_vector_subcore>, window_params = [{transform_indices = #map}, {transform_indices = #map1}, {transform_indices = #map1}]} {
    %mul3A = arith.constant 16 : i32
    %mul3A_0 = arith.muli %arg0, %mul3A : i32
    %add3A = arith.addi %mul3A_0, %arg1 : i32
    %mul3A_1 = arith.constant 50 : i32
    %mul3A_2 = arith.muli %add3A, %mul3A_1 : i32
    %mul3A_3 = arith.constant 64 : i32
    %mul3A_4 = arith.muli %add3A, %mul3A_3 : i32
    "tpu.region"() ({
      %run_scoped3A = tpu.sem_alloc : memref<!tpu.dma_semaphore, #tpu.memory_space<semaphore_mem>>
      %dma_start3A_247 = tpu.memref_slice %arg3[%mul3A_4] : memref<2048xi32, #tpu.memory_space<hbm>> -> memref<64xi32, #tpu.memory_space<hbm>>
      %dma_start3A_248 = tpu.memref_slice %arg3[%mul3A_4] : memref<2048xi32, #tpu.memory_space<hbm>> -> memref<64xi32, #tpu.memory_space<hbm>>
      tpu.enqueue_dma source(%dma_start3A_248 : memref<64xi32, #tpu.memory_space<hbm>>) target(%arg5 : memref<64xi32, #tpu.memory_space<vmem>>) target_semaphore(%run_scoped3A : memref<!tpu.dma_semaphore, #tpu.memory_space<semaphore_mem>>)
      %dma_wait3A_249 = tpu.memref_slice %arg3[%mul3A_4] : memref<2048xi32, #tpu.memory_space<hbm>> -> memref<64xi32, #tpu.memory_space<hbm>>
      %dma_wait3A_250 = tpu.memref_slice %arg3[%mul3A_4] : memref<2048xi32, #tpu.memory_space<hbm>> -> memref<64xi32, #tpu.memory_space<hbm>>
      tpu.wait_dma2 semaphore(%run_scoped3A : memref<!tpu.dma_semaphore, #tpu.memory_space<semaphore_mem>>) src(%dma_wait3A_250 : memref<64xi32, #tpu.memory_space<hbm>>) dst(%arg5 : memref<64xi32, #tpu.memory_space<vmem>>)
      tpu.yield
    }) : () -> ()
    %iota3A = tpu.iota {dimensions = array<i32: 0>} : vector<16xi32>
    %get3A = arith.constant 0 : index
    %get3A_5 = tpu.vector_load %arg5[%get3A] {strides = array<i32>} : memref<64xi32, #tpu.memory_space<vmem>>, vector<16xi32>,
    %add3A_6 = arith.constant 0 : i32
    %add3A_7 = vector.broadcast %add3A_6 : i32 to vector<16xi32>
    %add3A_8 = arith.addi %add3A_7, %iota3A : vector<16xi32>
    %lt3A = arith.constant 50 : i32
    %lt3A_9 = vector.broadcast %lt3A : i32 to vector<16xi32>
    %lt3A_10 = arith.cmpi slt, %add3A_8, %lt3A_9 : vector<16xi32>
    %add3A_11 = arith.constant 0 : i32
    %add3A_12 = arith.addi %mul3A_2, %add3A_11 : i32
    %add3A_13 = vector.broadcast %add3A_12 : i32 to vector<16xi32>
    %add3A_14 = arith.addi %add3A_13, %iota3A : vector<16xi32>
    %shift_right_arithmetic3A = arith.constant 3 : i32
    %shift_right_arithmetic3A_15 = vector.broadcast %shift_right_arithmetic3A : i32 to vector<16xi32>
    %shift_right_arithmetic3A_16 = arith.shrsi %add3A_14, %shift_right_arithmetic3A_15 : vector<16xi32>
    %mul3A_17 = arith.constant 2000 : i32
    %mul3A_18 = vector.broadcast %mul3A_17 : i32 to vector<16xi32>
    %mul3A_19 = arith.muli %shift_right_arithmetic3A_16, %mul3A_18 : vector<16xi32>
    %shift_right_arithmetic3A_20 = arith.constant 7 : i32
    %shift_right_arithmetic3A_21 = vector.broadcast %shift_right_arithmetic3A_20 : i32 to vector<16xi32>
    %shift_right_arithmetic3A_22 = arith.shrsi %get3A_5, %shift_right_arithmetic3A_21 : vector<16xi32>
    %shift_left3A = arith.constant 3 : i32
    %shift_left3A_23 = vector.broadcast %shift_left3A : i32 to vector<16xi32>
    %shift_left3A_24 = arith.shli %shift_right_arithmetic3A_22, %shift_left3A_23 : vector<16xi32>
    %add3A_25 = arith.addi %mul3A_19, %shift_left3A_24 : vector<16xi32>
    %and3A = arith.constant 7 : i32
    %and3A_26 = vector.broadcast %and3A : i32 to vector<16xi32>
    %and3A_27 = arith.andi %add3A_14, %and3A_26 : vector<16xi32>
    %add3A_28 = arith.addi %add3A_25, %and3A_27 : vector<16xi32>
    %add3A_29 = arith.constant 0 : i32
    %add3A_30 = vector.broadcast %add3A_29 : i32 to vector<16xi32>
    %add3A_31 = arith.addi %add3A_30, %iota3A : vector<16xi32>
    %select_n3A = arith.select %lt3A_10, %add3A_28, %add3A_31 : vector<16xi1>, vector<16xi32>
    %swap3A = arith.constant 0 : index
    %swap3A_32 = tpu.vector_load %arg6[%swap3A] {strides = array<i32>} : memref<64xi32, #tpu.memory_space<vmem>>, vector<16xi32>,
    tpu.vector_store %arg6[%swap3A], %select_n3A {strides = array<i32>} : memref<64xi32, #tpu.memory_space<vmem>>, vector<16xi32>,
    %get3A_33 = arith.constant 16 : index
    %get3A_34 = tpu.vector_load %arg5[%get3A_33] {strides = array<i32>} : memref<64xi32, #tpu.memory_space<vmem>>, vector<16xi32>,
    %add3A_35 = arith.constant 16 : i32
    %add3A_36 = vector.broadcast %add3A_35 : i32 to vector<16xi32>
    %add3A_37 = arith.addi %add3A_36, %iota3A : vector<16xi32>
    %lt3A_38 = arith.constant 50 : i32
    %lt3A_39 = vector.broadcast %lt3A_38 : i32 to vector<16xi32>
    %lt3A_40 = arith.cmpi slt, %add3A_37, %lt3A_39 : vector<16xi32>
    %add3A_41 = arith.constant 16 : i32
    %add3A_42 = arith.addi %mul3A_2, %add3A_41 : i32
    %add3A_43 = vector.broadcast %add3A_42 : i32 to vector<16xi32>
    %add3A_44 = arith.addi %add3A_43, %iota3A : vector<16xi32>
    %shift_right_arithmetic3A_45 = arith.constant 3 : i32
    %shift_right_arithmetic3A_46 = vector.broadcast %shift_right_arithmetic3A_45 : i32 to vector<16xi32>
    %shift_right_arithmetic3A_47 = arith.shrsi %add3A_44, %shift_right_arithmetic3A_46 : vector<16xi32>
    %mul3A_48 = arith.constant 2000 : i32
    %mul3A_49 = vector.broadcast %mul3A_48 : i32 to vector<16xi32>
    %mul3A_50 = arith.muli %shift_right_arithmetic3A_47, %mul3A_49 : vector<16xi32>
    %shift_right_arithmetic3A_51 = arith.constant 7 : i32
    %shift_right_arithmetic3A_52 = vector.broadcast %shift_right_arithmetic3A_51 : i32 to vector<16xi32>
    %shift_right_arithmetic3A_53 = arith.shrsi %get3A_34, %shift_right_arithmetic3A_52 : vector<16xi32>
    %shift_left3A_54 = arith.constant 3 : i32
    %shift_left3A_55 = vector.broadcast %shift_left3A_54 : i32 to vector<16xi32>
    %shift_left3A_56 = arith.shli %shift_right_arithmetic3A_53, %shift_left3A_55 : vector<16xi32>
    %add3A_57 = arith.addi %mul3A_50, %shift_left3A_56 : vector<16xi32>
    %and3A_58 = arith.constant 7 : i32
    %and3A_59 = vector.broadcast %and3A_58 : i32 to vector<16xi32>
    %and3A_60 = arith.andi %add3A_44, %and3A_59 : vector<16xi32>
    %add3A_61 = arith.addi %add3A_57, %and3A_60 : vector<16xi32>
    %add3A_62 = arith.constant 16 : i32
    %add3A_63 = vector.broadcast %add3A_62 : i32 to vector<16xi32>
    %add3A_64 = arith.addi %add3A_63, %iota3A : vector<16xi32>
    %select_n3A_65 = arith.select %lt3A_40, %add3A_61, %add3A_64 : vector<16xi1>, vector<16xi32>
    %swap3A_66 = arith.constant 16 : index
    %swap3A_67 = tpu.vector_load %arg6[%swap3A_66] {strides = array<i32>} : memref<64xi32, #tpu.memory_space<vmem>>, vector<16xi32>,
    tpu.vector_store %arg6[%swap3A_66], %select_n3A_65 {strides = array<i32>} : memref<64xi32, #tpu.memory_space<vmem>>, vector<16xi32>,
    %get3A_68 = arith.constant 32 : index
    %get3A_69 = tpu.vector_load %arg5[%get3A_68] {strides = array<i32>} : memref<64xi32, #tpu.memory_space<vmem>>, vector<16xi32>,
    %add3A_70 = arith.constant 32 : i32
    %add3A_71 = vector.broadcast %add3A_70 : i32 to vector<16xi32>
    %add3A_72 = arith.addi %add3A_71, %iota3A : vector<16xi32>
    %lt3A_73 = arith.constant 50 : i32
    %lt3A_74 = vector.broadcast %lt3A_73 : i32 to vector<16xi32>
    %lt3A_75 = arith.cmpi slt, %add3A_72, %lt3A_74 : vector<16xi32>
    %add3A_76 = arith.constant 32 : i32
    %add3A_77 = arith.addi %mul3A_2, %add3A_76 : i32
    %add3A_78 = vector.broadcast %add3A_77 : i32 to vector<16xi32>
    %add3A_79 = arith.addi %add3A_78, %iota3A : vector<16xi32>
    %shift_right_arithmetic3A_80 = arith.constant 3 : i32
    %shift_right_arithmetic3A_81 = vector.broadcast %shift_right_arithmetic3A_80 : i32 to vector<16xi32>
    %shift_right_arithmetic3A_82 = arith.shrsi %add3A_79, %shift_right_arithmetic3A_81 : vector<16xi32>
    %mul3A_83 = arith.constant 2000 : i32
    %mul3A_84 = vector.broadcast %mul3A_83 : i32 to vector<16xi32>
    %mul3A_85 = arith.muli %shift_right_arithmetic3A_82, %mul3A_84 : vector<16xi32>
    %shift_right_arithmetic3A_86 = arith.constant 7 : i32
    %shift_right_arithmetic3A_87 = vector.broadcast %shift_right_arithmetic3A_86 : i32 to vector<16xi32>
    %shift_right_arithmetic3A_88 = arith.shrsi %get3A_69, %shift_right_arithmetic3A_87 : vector<16xi32>
    %shift_left3A_89 = arith.constant 3 : i32
    %shift_left3A_90 = vector.broadcast %shift_left3A_89 : i32 to vector<16xi32>
    %shift_left3A_91 = arith.shli %shift_right_arithmetic3A_88, %shift_left3A_90 : vector<16xi32>
    %add3A_92 = arith.addi %mul3A_85, %shift_left3A_91 : vector<16xi32>
    %and3A_93 = arith.constant 7 : i32
    %and3A_94 = vector.broadcast %and3A_93 : i32 to vector<16xi32>
    %and3A_95 = arith.andi %add3A_79, %and3A_94 : vector<16xi32>
    %add3A_96 = arith.addi %add3A_92, %and3A_95 : vector<16xi32>
    %add3A_97 = arith.constant 32 : i32
    %add3A_98 = vector.broadcast %add3A_97 : i32 to vector<16xi32>
    %add3A_99 = arith.addi %add3A_98, %iota3A : vector<16xi32>
    %select_n3A_100 = arith.select %lt3A_75, %add3A_96, %add3A_99 : vector<16xi1>, vector<16xi32>
    %swap3A_101 = arith.constant 32 : index
    %swap3A_102 = tpu.vector_load %arg6[%swap3A_101] {strides = array<i32>} : memref<64xi32, #tpu.memory_space<vmem>>, vector<16xi32>,
    tpu.vector_store %arg6[%swap3A_101], %select_n3A_100 {strides = array<i32>} : memref<64xi32, #tpu.memory_space<vmem>>, vector<16xi32>,
    %get3A_103 = arith.constant 48 : index
    %get3A_104 = tpu.vector_load %arg5[%get3A_103] {strides = array<i32>} : memref<64xi32, #tpu.memory_space<vmem>>, vector<16xi32>,
    %add3A_105 = arith.constant 48 : i32
    %add3A_106 = vector.broadcast %add3A_105 : i32 to vector<16xi32>
    %add3A_107 = arith.addi %add3A_106, %iota3A : vector<16xi32>
    %lt3A_108 = arith.constant 50 : i32
    %lt3A_109 = vector.broadcast %lt3A_108 : i32 to vector<16xi32>
    %lt3A_110 = arith.cmpi slt, %add3A_107, %lt3A_109 : vector<16xi32>
    %add3A_111 = arith.constant 48 : i32
    %add3A_112 = arith.addi %mul3A_2, %add3A_111 : i32
    %add3A_113 = vector.broadcast %add3A_112 : i32 to vector<16xi32>
    %add3A_114 = arith.addi %add3A_113, %iota3A : vector<16xi32>
    %shift_right_arithmetic3A_115 = arith.constant 3 : i32
    %shift_right_arithmetic3A_116 = vector.broadcast %shift_right_arithmetic3A_115 : i32 to vector<16xi32>
    %shift_right_arithmetic3A_117 = arith.shrsi %add3A_114, %shift_right_arithmetic3A_116 : vector<16xi32>
    %mul3A_118 = arith.constant 2000 : i32
    %mul3A_119 = vector.broadcast %mul3A_118 : i32 to vector<16xi32>
    %mul3A_120 = arith.muli %shift_right_arithmetic3A_117, %mul3A_119 : vector<16xi32>
    %shift_right_arithmetic3A_121 = arith.constant 7 : i32
    %shift_right_arithmetic3A_122 = vector.broadcast %shift_right_arithmetic3A_121 : i32 to vector<16xi32>
    %shift_right_arithmetic3A_123 = arith.shrsi %get3A_104, %shift_right_arithmetic3A_122 : vector<16xi32>
    %shift_left3A_124 = arith.constant 3 : i32
    %shift_left3A_125 = vector.broadcast %shift_left3A_124 : i32 to vector<16xi32>
    %shift_left3A_126 = arith.shli %shift_right_arithmetic3A_123, %shift_left3A_125 : vector<16xi32>
    %add3A_127 = arith.addi %mul3A_120, %shift_left3A_126 : vector<16xi32>
    %and3A_128 = arith.constant 7 : i32
    %and3A_129 = vector.broadcast %and3A_128 : i32 to vector<16xi32>
    %and3A_130 = arith.andi %add3A_114, %and3A_129 : vector<16xi32>
    %add3A_131 = arith.addi %add3A_127, %and3A_130 : vector<16xi32>
    %add3A_132 = arith.constant 48 : i32
    %add3A_133 = vector.broadcast %add3A_132 : i32 to vector<16xi32>
    %add3A_134 = arith.addi %add3A_133, %iota3A : vector<16xi32>
    %select_n3A_135 = arith.select %lt3A_110, %add3A_131, %add3A_134 : vector<16xi1>, vector<16xi32>
    %swap3A_136 = arith.constant 48 : index
    %swap3A_137 = tpu.vector_load %arg6[%swap3A_136] {strides = array<i32>} : memref<64xi32, #tpu.memory_space<vmem>>, vector<16xi32>,
    tpu.vector_store %arg6[%swap3A_136], %select_n3A_135 {strides = array<i32>} : memref<64xi32, #tpu.memory_space<vmem>>, vector<16xi32>,
    %dma_start3A = arith.constant 0 : i32
    %dma_start3A_138 = arith.constant 0 : i32
    %dma_start3A_139 = tpu.memref_slice %arg2[%dma_start3A, %dma_start3A_138] : memref<400000x128xf32, #tpu.memory_space<hbm>> -> memref<400000x128xf32, #tpu.memory_space<hbm>>
    tpu.enqueue_indirect_dma source(%dma_start3A_139 : memref<400000x128xf32, #tpu.memory_space<hbm>>) target(%arg8 : memref<64x128xf32, #tpu.memory_space<vmem>>) offsets(%arg6 : memref<64xi32, #tpu.memory_space<vmem>>) semaphore(%arg9 : memref<!tpu.dma_semaphore, #tpu.memory_space<semaphore_mem>>)
    %dma_wait3A = arith.constant 0 : i32
    %dma_wait3A_140 = arith.constant 0 : i32
    %dma_wait3A_141 = tpu.memref_slice %arg2[%dma_wait3A, %dma_wait3A_140] : memref<400000x128xf32, #tpu.memory_space<hbm>> -> memref<400000x128xf32, #tpu.memory_space<hbm>>
    tpu.wait_indirect_dma semaphore(%arg9 : memref<!tpu.dma_semaphore, #tpu.memory_space<semaphore_mem>>) src(%dma_wait3A_141 : memref<400000x128xf32, #tpu.memory_space<hbm>>) dst(%arg8 : memref<64x128xf32, #tpu.memory_space<vmem>>)
    %broadcast_in_dim3A = arith.constant 0.000000e+00 : f32
    %broadcast_in_dim3A_142 = vector.broadcast %broadcast_in_dim3A : f32 to vector<16xf32>
    %get3A_143 = arith.constant 0 : index
    %get3A_144 = tpu.vector_load %arg5[%get3A_143] {strides = array<i32>} : memref<64xi32, #tpu.memory_space<vmem>>, vector<16xi32>,
    %add3A_145 = arith.constant 0 : i32
    %add3A_146 = vector.broadcast %add3A_145 : i32 to vector<16xi32>
    %add3A_147 = arith.addi %add3A_146, %iota3A : vector<16xi32>
    %lt3A_148 = arith.constant 50 : i32
    %lt3A_149 = vector.broadcast %lt3A_148 : i32 to vector<16xi32>
    %lt3A_150 = arith.cmpi slt, %add3A_147, %lt3A_149 : vector<16xi32>
    %add3A_151 = arith.constant 0 : i32
    %add3A_152 = vector.broadcast %add3A_151 : i32 to vector<16xi32>
    %add3A_153 = arith.addi %add3A_152, %iota3A : vector<16xi32>
    %and3A_154 = arith.constant 127 : i32
    %and3A_155 = vector.broadcast %and3A_154 : i32 to vector<16xi32>
    %and3A_156 = arith.andi %get3A_144, %and3A_155 : vector<16xi32>
    %jit3A = arith.constant 0 : i32
    %broadcast_in_dim3A_157 = vector.broadcast %jit3A : i32 to vector<16xi32>
    %select_n3A_158 = arith.select %lt3A_150, %and3A_156, %broadcast_in_dim3A_157 : vector<16xi1>, vector<16xi32>
    %gather3A = tpu.vector_load_idx %arg8[%add3A_153, %select_n3A_158] : memref<64x128xf32, #tpu.memory_space<vmem>>[vector<16xi32>, vector<16xi32>], vector<16xf32>,
    %ne3A = arith.constant 0 : i32
    %ne3A_159 = vector.broadcast %ne3A : i32 to vector<16xi32>
    %ne3A_160 = arith.cmpi ne, %get3A_144, %ne3A_159 : vector<16xi32>
    %and3A_161 = arith.andi %lt3A_150, %ne3A_160 : vector<16xi1>
    %jit3A_162 = arith.constant 0.000000e+00 : f32
    %broadcast_in_dim3A_163 = vector.broadcast %jit3A_162 : f32 to vector<16xf32>
    %select_n3A_164 = arith.select %and3A_161, %gather3A, %broadcast_in_dim3A_163 : vector<16xi1>, vector<16xf32>
    %sub3A = arith.subf %broadcast_in_dim3A_142, %select_n3A_164 : vector<16xf32>
    %get3A_165 = arith.constant 16 : index
    %get3A_166 = tpu.vector_load %arg5[%get3A_165] {strides = array<i32>} : memref<64xi32, #tpu.memory_space<vmem>>, vector<16xi32>,
    %add3A_167 = arith.constant 16 : i32
    %add3A_168 = vector.broadcast %add3A_167 : i32 to vector<16xi32>
    %add3A_169 = arith.addi %add3A_168, %iota3A : vector<16xi32>
    %lt3A_170 = arith.constant 50 : i32
    %lt3A_171 = vector.broadcast %lt3A_170 : i32 to vector<16xi32>
    %lt3A_172 = arith.cmpi slt, %add3A_169, %lt3A_171 : vector<16xi32>
    %add3A_173 = arith.constant 16 : i32
    %add3A_174 = vector.broadcast %add3A_173 : i32 to vector<16xi32>
    %add3A_175 = arith.addi %add3A_174, %iota3A : vector<16xi32>
    %and3A_176 = arith.constant 127 : i32
    %and3A_177 = vector.broadcast %and3A_176 : i32 to vector<16xi32>
    %and3A_178 = arith.andi %get3A_166, %and3A_177 : vector<16xi32>
    %jit3A_179 = arith.constant 0 : i32
    %broadcast_in_dim3A_180 = vector.broadcast %jit3A_179 : i32 to vector<16xi32>
    %select_n3A_181 = arith.select %lt3A_172, %and3A_178, %broadcast_in_dim3A_180 : vector<16xi1>, vector<16xi32>
    %gather3A_182 = tpu.vector_load_idx %arg8[%add3A_175, %select_n3A_181] : memref<64x128xf32, #tpu.memory_space<vmem>>[vector<16xi32>, vector<16xi32>], vector<16xf32>,
    %ne3A_183 = arith.constant 0 : i32
    %ne3A_184 = vector.broadcast %ne3A_183 : i32 to vector<16xi32>
    %ne3A_185 = arith.cmpi ne, %get3A_166, %ne3A_184 : vector<16xi32>
    %and3A_186 = arith.andi %lt3A_172, %ne3A_185 : vector<16xi1>
    %jit3A_187 = arith.constant 0.000000e+00 : f32
    %broadcast_in_dim3A_188 = vector.broadcast %jit3A_187 : f32 to vector<16xf32>
    %select_n3A_189 = arith.select %and3A_186, %gather3A_182, %broadcast_in_dim3A_188 : vector<16xi1>, vector<16xf32>
    %sub3A_190 = arith.subf %sub3A, %select_n3A_189 : vector<16xf32>
    %get3A_191 = arith.constant 32 : index
    %get3A_192 = tpu.vector_load %arg5[%get3A_191] {strides = array<i32>} : memref<64xi32, #tpu.memory_space<vmem>>, vector<16xi32>,
    %add3A_193 = arith.constant 32 : i32
    %add3A_194 = vector.broadcast %add3A_193 : i32 to vector<16xi32>
    %add3A_195 = arith.addi %add3A_194, %iota3A : vector<16xi32>
    %lt3A_196 = arith.constant 50 : i32
    %lt3A_197 = vector.broadcast %lt3A_196 : i32 to vector<16xi32>
    %lt3A_198 = arith.cmpi slt, %add3A_195, %lt3A_197 : vector<16xi32>
    %add3A_199 = arith.constant 32 : i32
    %add3A_200 = vector.broadcast %add3A_199 : i32 to vector<16xi32>
    %add3A_201 = arith.addi %add3A_200, %iota3A : vector<16xi32>
    %and3A_202 = arith.constant 127 : i32
    %and3A_203 = vector.broadcast %and3A_202 : i32 to vector<16xi32>
    %and3A_204 = arith.andi %get3A_192, %and3A_203 : vector<16xi32>
    %jit3A_205 = arith.constant 0 : i32
    %broadcast_in_dim3A_206 = vector.broadcast %jit3A_205 : i32 to vector<16xi32>
    %select_n3A_207 = arith.select %lt3A_198, %and3A_204, %broadcast_in_dim3A_206 : vector<16xi1>, vector<16xi32>
    %gather3A_208 = tpu.vector_load_idx %arg8[%add3A_201, %select_n3A_207] : memref<64x128xf32, #tpu.memory_space<vmem>>[vector<16xi32>, vector<16xi32>], vector<16xf32>,
    %ne3A_209 = arith.constant 0 : i32
    %ne3A_210 = vector.broadcast %ne3A_209 : i32 to vector<16xi32>
    %ne3A_211 = arith.cmpi ne, %get3A_192, %ne3A_210 : vector<16xi32>
    %and3A_212 = arith.andi %lt3A_198, %ne3A_211 : vector<16xi1>
    %jit3A_213 = arith.constant 0.000000e+00 : f32
    %broadcast_in_dim3A_214 = vector.broadcast %jit3A_213 : f32 to vector<16xf32>
    %select_n3A_215 = arith.select %and3A_212, %gather3A_208, %broadcast_in_dim3A_214 : vector<16xi1>, vector<16xf32>
    %sub3A_216 = arith.subf %sub3A_190, %select_n3A_215 : vector<16xf32>
    %get3A_217 = arith.constant 48 : index
    %get3A_218 = tpu.vector_load %arg5[%get3A_217] {strides = array<i32>} : memref<64xi32, #tpu.memory_space<vmem>>, vector<16xi32>,
    %add3A_219 = arith.constant 48 : i32
    %add3A_220 = vector.broadcast %add3A_219 : i32 to vector<16xi32>
    %add3A_221 = arith.addi %add3A_220, %iota3A : vector<16xi32>
    %lt3A_222 = arith.constant 50 : i32
    %lt3A_223 = vector.broadcast %lt3A_222 : i32 to vector<16xi32>
    %lt3A_224 = arith.cmpi slt, %add3A_221, %lt3A_223 : vector<16xi32>
    %add3A_225 = arith.constant 48 : i32
    %add3A_226 = vector.broadcast %add3A_225 : i32 to vector<16xi32>
    %add3A_227 = arith.addi %add3A_226, %iota3A : vector<16xi32>
    %and3A_228 = arith.constant 127 : i32
    %and3A_229 = vector.broadcast %and3A_228 : i32 to vector<16xi32>
    %and3A_230 = arith.andi %get3A_218, %and3A_229 : vector<16xi32>
    %jit3A_231 = arith.constant 0 : i32
    %broadcast_in_dim3A_232 = vector.broadcast %jit3A_231 : i32 to vector<16xi32>
    %select_n3A_233 = arith.select %lt3A_224, %and3A_230, %broadcast_in_dim3A_232 : vector<16xi1>, vector<16xi32>
    %gather3A_234 = tpu.vector_load_idx %arg8[%add3A_227, %select_n3A_233] : memref<64x128xf32, #tpu.memory_space<vmem>>[vector<16xi32>, vector<16xi32>], vector<16xf32>,
    %ne3A_235 = arith.constant 0 : i32
    %ne3A_236 = vector.broadcast %ne3A_235 : i32 to vector<16xi32>
    %ne3A_237 = arith.cmpi ne, %get3A_218, %ne3A_236 : vector<16xi32>
    %and3A_238 = arith.andi %lt3A_224, %ne3A_237 : vector<16xi1>
    %jit3A_239 = arith.constant 0.000000e+00 : f32
    %broadcast_in_dim3A_240 = vector.broadcast %jit3A_239 : f32 to vector<16xf32>
    %select_n3A_241 = arith.select %and3A_238, %gather3A_234, %broadcast_in_dim3A_240 : vector<16xi1>, vector<16xf32>
    %sub3A_242 = arith.subf %sub3A_216, %select_n3A_241 : vector<16xf32>
    %swap3A_243 = arith.constant 0 : index
    %swap3A_244 = tpu.vector_load %arg7[%swap3A_243] {strides = array<i32>} : memref<16xf32, #tpu.memory_space<vmem>>, vector<16xf32>,
    tpu.vector_store %arg7[%swap3A_243], %sub3A_242 {strides = array<i32>} : memref<16xf32, #tpu.memory_space<vmem>>, vector<16xf32>,
    %mul3A_245 = arith.constant 16 : i32
    %mul3A_246 = arith.muli %add3A, %mul3A_245 : i32
    "tpu.region"() ({
      %run_scoped3A = tpu.sem_alloc : memref<!tpu.dma_semaphore, #tpu.memory_space<semaphore_mem>>
      %dma_start3A_247 = tpu.memref_slice %arg4[%mul3A_246] : memref<512xf32, #tpu.memory_space<hbm>> -> memref<16xf32, #tpu.memory_space<hbm>>
      %dma_start3A_248 = tpu.memref_slice %arg4[%mul3A_246] : memref<512xf32, #tpu.memory_space<hbm>> -> memref<16xf32, #tpu.memory_space<hbm>>
      tpu.enqueue_dma source(%arg7 : memref<16xf32, #tpu.memory_space<vmem>>) target(%dma_start3A_248 : memref<16xf32, #tpu.memory_space<hbm>>) target_semaphore(%run_scoped3A : memref<!tpu.dma_semaphore, #tpu.memory_space<semaphore_mem>>)
      %dma_wait3A_249 = tpu.memref_slice %arg4[%mul3A_246] : memref<512xf32, #tpu.memory_space<hbm>> -> memref<16xf32, #tpu.memory_space<hbm>>
      %dma_wait3A_250 = tpu.memref_slice %arg4[%mul3A_246] : memref<512xf32, #tpu.memory_space<hbm>> -> memref<16xf32, #tpu.memory_space<hbm>>
      tpu.wait_dma2 semaphore(%run_scoped3A : memref<!tpu.dma_semaphore, #tpu.memory_space<semaphore_mem>>) src(%arg7 : memref<16xf32, #tpu.memory_space<vmem>>) dst(%dma_wait3A_250 : memref<16xf32, #tpu.memory_space<hbm>>)
      tpu.yield
    }) : () -> ()
    return
  }
}

</mosaic_0001>

<sc_bundles>
// kernel: kernel.3.cloned.1.call-start
scs
__scs_entry_jumppad:
0x0: {  	(pc) =	sbr.rel $0x88, $3  }
0x1: {  	(tag) =	ssettag $0x0;
	lr =	simm.s32 $0x1  }
0x2: {  	[smem:$0x3F9F] =	sst lr;
	_ =	strace $0xD0000000  }
0x3: {  	_ = 	snop  }
0x4: {  	_ = 	snop  }
0x5: {  	_ = 	snop  }
0x6: {  	_ = 	snop  }
0x7: {  	_ = 	snop  }
__scs_overlays_trampoline_lowered:
0x8: {  	[smem:$0x3FAE] =	sst s0  }
0x9: {  	[smem:$0x3FAF] =	sst s1  }
0xa: {  	[smem:$0x3FB0] =	sst s2  }
0xb: {  	[smem:$0x3FB1] =	sst s3  }
0xc: {  	[smem:$0x3FB2] =	sst s4  }
0xd: {  	[smem:$0x3FB3] =	sst s5  }
0xe: {  	[smem:$0x3FB4] =	sst s6  }
0xf: {  	[smem:$0x3FB5] =	sst s7  }
0x10: {  	[smem:$0x3FB6] =	sst s8  }
0x11: {  	[smem:$0x3FB7] =	sst s9;
	s0 =	simm.s32 @!p0 $0x0  }
0x12: {  	s1 =	sld [smem:$0x3F9D];
	s0 =	simm.s32 @p0 $0x1  }
0x13: {  	[smem:$0x3FB8] =	sst s0;
	s0 =	simm.s32 @!p1 $0x0  }
0x14: {  	s2 =	sld [smem:$0x3F9C];
	s0 =	simm.s32 @p1 $0x1  }
0x15: {  	[smem:$0x3FB9] =	sst s0;
	s0 =	simm.s32 @!p2 $0x0  }
0x16: {  	s3 =	sld [smem:$0x3FDB];
	s0 =	simm.s32 @p2 $0x1  }
0x17: {  	s4 =	simm.s32 $0x1BF5;
	[smem:$0x3FBB] =	sst s0  }
0x18: {  	s0 =	sld [smem:$0x3F9E];
	_ =	swait.ge [sflag:s4], $0x0  }
0x19: {  	s7 =	sld [smem:$0x3F9F]  }
0x1a: {  	s8 =	sadd.s32 $0xFFFFE003, lr  }
0x1b: {  	s9 =	sadd.s32 $0xFFFFFEF7, lr;
	s5 =	simm.s32 $0xFFFFFFFF;
	p2 =	slt.u32 s8, $0xFFFFF086  }
0x1c: {  	p1 =	slt.u32 s9, $0xF7A;
	s5 =	simm.s32 @!p2 $0x0  }
0x1d: {  	s5 =	simm.s32 @p1 $0x1;
	p0 =	seq.s32 s7, s2  }
0x1e: {  	s7 =	smul.u32 @!p0 $0xF7A, s2;
	p2 =	seq.s32 @!p0 s5, $0x0  }
0x1f: {  	s9 =	smul.u32 $0xF7A, s1;
	s8 =	simm.s32 @!p0 $0x1BF5;
	p2 =	por !p2, p0  }
0x20: {  	[sflag:s8] =	ssyncset.s32 @!p0 $0xFFFFF086;
	s6 =	sadd.s32 @!p0 s3, s7;
	s7 =	simm.s32 @!p0 $0x108  }
0x21: {  	s3 =	sadd.s32 s3, s9;
	s6 =	sadd.s32 @!p0 $0x88, s6;
	s7 =	simm.s32 @p2 $0x1082  }
0x22: {  	[simem:s7], [sflag:s8] =	dma.local @!p0 [hbm:s6], $0xF7A  }
0x23: {  	s9 =	sor.u32 $0xD0000000, s2;
	s6 =	simm.s32 $0x108;
	_ =	swait.ge @!p0 [sflag:s8], $0x0  }
0x24: {  	s3 =	sadd.s32 $0x88, s3;
	s6 =	simm.s32 @!p1 $0x1082;
	[sflag:s4] =	ssyncset.s32 $0xFFFFF086  }
0x25: {  	[simem:s6], [sflag:s4] =	dma.local [hbm:s3], $0xF7A  }
0x26: {  	[smem:$0x3F9F] =	sst s1;
	(tag) =	ssettag s2;
	_ =	strace s9  }
0x27: {  	s1 =	sld [smem:$0x3FAF]  }
0x28: {  	s2 =	sld [smem:$0x3FB0]  }
0x29: {  	s4 =	sld [smem:$0x3FB2]  }
0x2a: {  	p0 =	seq.s32 s5, $0x0;
	s5 =	sld [smem:$0x3FB3]  }
0x2b: {  	s6 =	sld [smem:$0x3FB4]  }
0x2c: {  	s7 =	sld [smem:$0x3FB5]  }
0x2d: {  	s3 =	simm.s32 $0x108;
	s8 =	sld [smem:$0x3FB6]  }
0x2e: {  	s3 =	simm.s32 @!p0 $0x1082;
	s9 =	sld [smem:$0x3FB7]  }
0x2f: {  	lr =	sadd.s32 s0, s3;
	s0 =	sld [smem:$0x3FAE]  }
0x30: {  	s3 =	sld [smem:$0x3FB1]  }
0x31: {  	[smem:$0x3FBA] =	sst s10  }
0x32: {  	s10 =	sld [smem:$0x3FB8];
	_ =	sdelay $0x3  }
0x33: {  	p0 =	seq.s32 s10, $0x1;
	s10 =	sld [smem:$0x3FBA];
	_ =	sdelay $0x3  }
0x34: {  	[smem:$0x3FBA] =	sst s10  }
0x35: {  	s10 =	sld [smem:$0x3FB9];
	_ =	sdelay $0x3  }
0x36: {  	p1 =	seq.s32 s10, $0x1;
	s10 =	sld [smem:$0x3FBA];
	_ =	sdelay $0x3  }
0x37: {  	[smem:$0x3FBA] =	sst s10  }
0x38: {  	s10 =	sld [smem:$0x3FBB]  }
0x39: {  	_ = 	snop;
	(pc) =	sbr.ind lr, $3  }
0x3a: {  	_ = 	snop  }
0x3b: {  	_ = 	snop  }
0x3c: {  	p2 =	seq.s32 s10, $0x1;
	s10 =	sld [smem:$0x3FBA]  }
0x3d: {  	_ =	shalt  }
0x3e: {  	_ =	shalt  }
0x3f: {  	_ =	shalt  }
0x40: {  	_ =	shalt  }
0x41: {  	_ =	shalt  }
0x42: {  	_ =	shalt  }
0x43: {  	_ =	shalt  }
0x44: {  	_ =	shalt  }
0x45: {  	_ =	shalt  }
0x46: {  	_ =	shalt  }
0x47: {  	_ =	shalt  }
0x48: {  	_ =	shalt  }
0x49: {  	_ =	shalt  }
0x4a: {  	_ =	shalt  }
0x4b: {  	_ =	shalt  }
0x4c: {  	_ =	shalt  }
0x4d: {  	_ =	shalt  }
0x4e: {  	_ =	shalt  }
0x4f: {  	_ =	shalt  }
0x50: {  	_ =	shalt  }
0x51: {  	_ =	shalt  }
0x52: {  	_ =	shalt  }
0x53: {  	_ =	shalt  }
0x54: {  	_ =	shalt  }
0x55: {  	_ =	shalt  }
0x56: {  	_ =	shalt  }
0x57: {  	_ =	shalt  }
0x58: {  	_ =	shalt  }
0x59: {  	_ =	shalt  }
0x5a: {  	_ =	shalt  }
0x5b: {  	_ =	shalt  }
0x5c: {  	_ =	shalt  }
0x5d: {  	_ =	shalt  }
0x5e: {  	_ =	shalt  }
0x5f: {  	_ =	shalt  }
0x60: {  	_ =	shalt  }
0x61: {  	_ =	shalt  }
0x62: {  	_ =	shalt  }
0x63: {  	_ =	shalt  }
0x64: {  	_ =	shalt  }
0x65: {  	_ =	shalt  }
0x66: {  	_ =	shalt  }
0x67: {  	_ =	shalt  }
0x68: {  	_ =	shalt  }
0x69: {  	_ =	shalt  }
0x6a: {  	_ =	shalt  }
0x6b: {  	_ =	shalt  }
0x6c: {  	_ =	shalt  }
0x6d: {  	_ =	shalt  }
0x6e: {  	_ =	shalt  }
0x6f: {  	_ =	shalt  }
0x70: {  	_ =	shalt  }
0x71: {  	_ =	shalt  }
0x72: {  	_ =	shalt  }
0x73: {  	_ =	shalt  }
0x74: {  	_ =	shalt  }
0x75: {  	_ =	shalt  }
0x76: {  	_ =	shalt  }
0x77: {  	_ =	shalt  }
0x78: {  	_ =	shalt  }
0x79: {  	_ =	shalt  }
0x7a: {  	_ =	shalt  }
0x7b: {  	_ =	shalt  }
0x7c: {  	_ =	shalt  }
0x7d: {  	_ =	shalt  }
0x7e: {  	_ =	shalt  }
0x7f: {  	_ =	shalt  }
0x80: {  	_ =	shalt  }
0x81: {  	_ =	shalt  }
0x82: {  	_ =	shalt  }
0x83: {  	_ =	shalt  }
0x84: {  	_ =	shalt  }
0x85: {  	_ =	shalt  }
0x86: {  	_ =	shalt  }
0x87: {  	_ =	shalt  }
.Lfunc_end0:
.L_simem_size_0:
called_computation_lowered:
.L_overlay_start_0:
0x88: {  	s2 =	sld [smem:$0x3FD9]  }
0x89: {  	s3 =	sld [smem:$0x3FFE];
	_ =	sdelay $0x1  }
0x8a: {  	s1 =	srdreg.scid  }
0x8b: {  	s0 =	sand.u32 $0x1, s1  }
0x8c: {  	s17 =	sshll.u32 s0, $0xA;
	s2 =	sadd.s32 s3, s2  }
0x8d: {  	s2 =	sadd.s32 s2, s17  }
0x8e: {  	[smem:$0x3FC6] =	sst s2  }
0x8f: {  	_ = 	snop  }
0x90: {  	s2 =	sld [smem:$0x3FC9];
	(tm) =	ssettm $0x1  }
0x91: {  	s18 =	sld [smem:$0x3FFB];
	_ =	sdelay $0x3  }
0x92: {  	_ =	strace s18  }
0x93: {  	s3 =	sld [smem:$0x3FFC];
	_ =	sdelay $0x3  }
0x94: {  	_ =	strace s3  }
0x95: {  	s3 =	sld [smem:$0x3FFD];
	_ =	sdelay $0x3  }
0x96: {  	_ =	strace s3  }
0x97: {  	_ =	strace $0x8FFFFFFF  }
0x98: {  	s19 =	sld [smem:$0x3FDB];
	_ =	sdelay $0x1  }
0x99: {  	s4 =	simm.s32 $_scs_section_size  }
0x9a: {  	s5 =	simm.s32 $_size__tile_overlayer_lowered;
	s6 =	simm.s32 $_tile_overlayer_lowered  }
0x9b: {  	s22 =	simm.s32 $0x1BFF;
	s21 =	sshll.u32 s6, $0x1;
	s3 =	sadd.s32 s4, s19  }
0x9c: {  	s7 =	simm.s32 $0x0;
	s20 =	sshll.u32 s5, $0x1;
	s5 =	sadd.s32 s21, s3  }
0x9d: {  	[timem:s7], [sflag:s22] =	dma.local [hbm:s5], s20  }
0x9e: {  	_ =	swait.ge [sflag:s22], s20  }
0x9f: {  	s4 =	ssub.s32 $0x0, s20;
	[sflag:s22] =	ssyncset.done $0x0  }
0xa0: {  	[sflag:s22] =	ssyncadd.s32 s4;
	_ =	sdelay $0x1  }
0xa1: {  	s23 =	simm.s32 $0x1B8B  }
0xa2: {  	_ =	swait.ge [sflag:s23], $0x1  }
0xa3: {  	[sflag:s23] =	ssyncset.done $0x0  }
0xa4: {  	s25 =	simm.s32 $0x1B8E;
	s24 =	sld [smem:$0x3FFE];
	[sflag:s23] =	ssyncadd.s32 $0xFFFFFFFF  }
0xa5: {  	s26 =	simm.s32 $execute0_lowered;
	[smem:$0x3FD2] =	sst s25  }
0xa6: {  	s5 =	sshll.u32 s26, $0x1;
	_ =	strace $0x80000046;
	[dreg:$0x1] =	wrdreg $0xFFFFFFFF  }
0xa7: {  	s28 =	simm.s32 $_size_execute0_lowered;
	s3 =	sadd.s32 s3, s5;
	[dreg:$0x0] =	wrdreg $0x0  }
0xa8: {  	s5 =	sshll.u32 s28, $0x1;
	[dreg:$0x2] =	wrdreg s3  }
0xa9: {  	[dreg:$0x3] =	wrdreg s5  }
0xaa: {  	[dreg:$0x4] =	wrdreg $0xC0  }
0xab: {  	_ =	task [dreg:s7], $0x5FFFF  }
0xac: {  	[dreg:$0x1] =	wrdreg $0xFFFFFFFF  }
0xad: {  	[dreg:$0x0] =	wrdreg $0x60  }
0xae: {  	[dreg:$0x2] =	wrdreg s2  }
0xaf: {  	[dreg:$0x3] =	wrdreg s24  }
0xb0: {  	[dreg:$0x4] =	wrdreg $0x9  }
0xb1: {  	_ =	task.clear_ibuf [dreg:s7], $0x5FFFF;
	_ =	strace $0x90000046  }
0xb2: {  	s29 =	simm.s32 $0x9;
	_ =	strace $0x80000048  }
0xb3: {  	_ =	swait.ge [sflag:s29], $0x1  }
0xb4: {  	[sflag:s29] =	ssyncadd.s32 $0xFFFFFFFF  }
0xb5: {  	_ =	strace $0x90000048  }
0xb6: {  	_ =	sfence  }
0xb7: {  	s30 =	sld [smem:$0x0];
	_ =	sdelay $0x2  }
0xb8: {  	s31 =	sshll.u32 s1, $0xD;
	s1 =	sshrl.u32 s1, $0x2  }
0xb9: {  	s3 =	sand.u32 $0x4000, s31;
	s1 =	sadd.s32 s1, s30  }
0xba: {  	s0 =	sor.u32 s3, s0;
	s1 =	sshll.u32 s1, $0x11  }
0xbb: {  	s0 =	sor.u32 s1, s0  }
0xbc: {  	s0 =	sadd.s32 $0x8F2B, s0  }
0xbd: {  	[sflag:s0] =	ssyncadd.remote.s32 $0x1  }
0xbe: {  	_ =	sfence.sel $0xFFFF  }
0xbf: {  	[dreg:$0x0] =	wrdreg $0xFFFFFFFF;
	(pc) =	sbr.abs _section_cstart, $3  }
0xc0: {  	[dreg:$0x1] =	wrdreg $0xFFFFFFFF  }
0xc1: {  	_ =	task.clear_ibuf [dreg:s7], $0x2FFFF;
	_ =	strace $0x9FFFFFFF  }
0xc2: {  	(tm) =	ssettm $0x7FFFFFFF  }
0xc3: {  	_ =	shalt  }
tec
execute0_lowered:
.L_overlay_start_1:
0x0: {  	(tag) =	ssettag $0x1  }
0x1: {  	s0 =	srdreg.scid;
	s2 =	rddreg [dreg:$0x0]  }
0x2: {  	s10 =	rddreg [dreg:$0x1];
	s12 =	sand.u32 $0x1, s0  }
0x3: {  	s3 =	simm.s32 $0x0;
	s0 =	stileid.u32;
	s1 =	sshll.u32 s12, $0x4  }
0x4: {  	[smem:$0x7FF] =	sst s3;
	s11 =	sor.u32 s0, s1  }
0x5: {  	s5 =	simm.s32 $0x2;
	s1 =	rddreg [dreg:$0x2];
	s4 =	sshll.u32 s11, $0x3  }
0x6: {  	v7 =	vimm.s32 $0x33323534;
	_ =	strace $0x80000047;
	s6 =	smul.u32 $0x32, s11;
	s4 =	sadd.s32 s10, s4  }
0x7: {  	v5 =	vlaneseq.u32;
	v9 =	vimm.s32 $0x37363938;
	v7 =	vunpack.c.0.s8.s32 v7;
	[tilespmem:s3], [sflag:$0x2] =	stream.linear.gather [hbm4b:s4+s3], $0x40, $0x38;
	[tilespmem:$0x2180] =	vst v63  }
0x8: {  	vm0 =	vcmask $0x1700;
	v11 =	vimm.s32 $0x3B3A3D3C;
	v0 =	vadd.s32 s6, v5;
	_ =	swait.ge [sflag:s5], $0x40  }
0x9: {  	v9 =	vunpack.c.0.s8.s32 v9;
	v7 =	vnsel vm0, $0x3F, v7;
	s8 =	sadd.s32 $0x20, s6;
	v1 =	vshrl.u32 v0, $0x3;
	[sflag:s5] =	ssyncset.done $0x0  }
0xa: {  	vm0 =	vcmask $0x2718;
	s7 =	sadd.s32 $0x10, s6;
	v3 =	vadd.s32 s8, v5;
	v1 =	vmul.u32 $0x7D0, v1;
	[sflag:s5] =	ssyncadd.s32 $0xFFFFFFC0  }
0xb: {  	v2 =	vadd.s32 s7, v5;
	v0 =	vand.u32 $0x7, v0;
	v6 =	vshrl.u32 v3, $0x3;
	v8 =	vld [tilespmem:$0x20]  }
0xc: {  	s6 =	sadd.s32 $0x30, s6;
	v4 =	vshrl.u32 v2, $0x3;
	v0 =	vor.u32 v0, v1;
	v1 =	vmul.u32 $0x7D0, v6;
	v10 =	vld [tilespmem:$0x0]  }
0xd: {  	v6 =	vand.u32 $0x7, v2;
	v2 =	vand.u32 $0x7, v3;
	v3 =	vadd.s32 s6, v5;
	v12 =	vld [tilespmem:$0x30]  }
0xe: {  	v7 =	vsel vm0, v9, v7;
	v9 =	vld [tilespmem:$0x10];
	v1 =	vor.u32 v2, v1;
	v2 =	vshrl.u32 v3, $0x3  }
0xf: {  	v11 =	vunpack.c.0.s8.s32 v11;
	v4 =	vmul.u32 $0x7D0, v4;
	v2 =	vmul.u32 $0x7D0, v2  }
0x10: {  	vm0 =	vcmask $0x3728;
	v3 =	vand.u32 $0x7, v3  }
0x11: {  	v4 =	vor.u32 v6, v4;
	v2 =	vor.u32 v3, v2;
	v3 =	vsel vm0, v11, v7  }
0x12: {  	vm0 =	vcmask $0x3B38;
	v7 =	vshra.s32 v8, $0x4;
	v8 =	vshra.s32 v10, $0x4  }
0x13: {  	v10 =	vshra.s32 v12, $0x4;
	v9 =	vshra.s32 v9, $0x4;
	v7 =	vand.u32 $0xFFFFFFF8, v7  }
0x14: {  	v3 =	vsel vm0, $0x3E, v3;
	v8 =	vand.u32 $0xFFFFFFF8, v8;
	v7 =	vadd.s32 v1, v7  }
0x15: {  	v10 =	vand.u32 $0xFFFFFFF8, v10;
	v6 =	vand.u32 $0xFFFFFFF8, v9;
	v8 =	vadd.s32 v0, v8;
	[tilespmem:$0xA0] =	vst v7  }
0x16: {  	vm0 =	vmmov $0x3;
	v6 =	vadd.s32 v4, v6;
	v7 =	vadd.s32 v2, v10;
	[tilespmem:$0x80] =	vst v8  }
0x17: {  	s9 =	simm.s32 $0x1;
	[tilespmem:$0x90] =	vst v6;
	v7 =	vsel vm0, v7, v3  }
0x18: {  	s7 =	simm.s32 $0x80;
	s8 =	simm.s32 $0x180;
	s6 =	simm.s32 $0x40;
	[tilespmem:$0xB0] =	vst v7  }
0x19: {  	[tilespmem:s8], [sflag:$0x1] =	stream.indirect.gather [hbm4b:s2+s6], $0x80, s7, s6, $0xb8;
	[tilespmem:$0x2180] =	vst v63  }
0x1a: {  	_ =	swait.ge [sflag:s9], $0x2000  }
0x1b: {  	[sflag:s9] =	ssyncset.done $0x0  }
0x1c: {  	[sflag:s9] =	ssyncadd.s32 $0xFFFFE000  }
0x1d: {  	v9 =	vld [tilespmem:$0x0];
	_ =	sdelay $0x1  }
0x1e: {  	v10 =	vld [tilespmem:$0x10];
	_ =	sdelay $0x1  }
0x1f: {  	v5 =	vmul.u32 $0x80, v5;
	v11 =	vld [tilespmem:$0x20]  }
0x20: {  	v63 =	vld [tilespmem:$0x30];
	v6 =	vand.u32 $0x7F, v9  }
0x21: {  	v13 =	vor.u32 v5, v6  }
0x22: {  	v7 =	vand.u32 $0x7F, v10;
	v6 =	vor.u32 $0x800, v5  }
0x23: {  	v14 =	vor.u32 v6, v7  }
0x24: {  	v8 =	vand.u32 $0x7F, v11;
	v7 =	vor.u32 $0x1000, v5  }
0x25: {  	v16 =	vand.u32 $0x7F, v63;
	v15 =	vor.u32 v7, v8  }
0x26: {  	v16 =	vnsel vm0, $0x0, v16;
	v8 =	vor.u32 $0x1800, v5;
	v13 =	vld.idx.msk [tilespmem:v13+s8+$0x0], $0xffff  }
0x27: {  	v16 =	vor.u32 v8, v16  }
0x28: {  	v14 =	vld.idx.msk [tilespmem:v14+s8+$0x0], $0xffff;
	_ =	sdelay $0x1  }
0x29: {  	v15 =	vld.idx.msk [tilespmem:v15+s8+$0x0], $0xffff  }
0x2a: {  	s12 =	ssub.s32 $0x2, s12;
	v13 =	vsub.f32 $0.0e+00, v13  }
0x2b: {  	s13 =	sshrl.u32 s12, $0x1;
	vm1 =	veq.s32 v9, $0x0;
	vm2 =	veq.s32 v10, $0x0;
	v16 =	vld.idx.msk [tilespmem:v16+s8+$0x0], $0xffff  }
0x2c: {  	s12 =	ssub.s32 s12, s13;
	v9 =	vsel vm2, $0x0, v14;
	v10 =	vsel vm1, $0x0, v13  }
0x2d: {  	s12 =	smax.u32 s12, $0x1;
	vm1 =	veq.s32 v11, $0x0;
	v9 =	vsub.f32 v10, v9  }
0x2e: {  	p0 =	sne.s32 s12, $0x1;
	vm2 =	vne.s32 v63, $0x0;
	v10 =	vsel vm1, $0x0, v15  }
.Ltmp0:
0x2f: {  	vm1 =	vmand vm2, vm0;
	v9 =	vsub.f32 v9, v10;
	(pc) =	sbr.rel @!p0 .LBB2_2-.Ltmp0, $4  }
0x30: {  	v10 =	vnsel vm1, $0x0, v16  }
0x31: {  	s11 =	sshll.u32 s11, $0x1;
	v9 =	vsub.f32 v9, v10  }
0x32: {  	s10 =	sadd.s32 s11, s10  }
0x33: {  	s11 =	simm.s32 $0x100;
	s10 =	sadd.s32 $0x200, s10;
	s12 =	sadd.s32 $0xFFFFFFFF, s12;
	[tilespmem:$0x100] =	vst v9  }
.LBB2_1:
0x34: {  	[hbm4b:s10+s3] =	stream.linear.scatter [tilespmem:s11], [sflag:$0x2], $0x10, $0x38;
	[tilespmem:$0x2180] =	vst v63  }
0x35: {  	p0 =	sne.s32 s12, $0x1;
	s12 =	sadd.s32 $0xFFFFFFFF, s12;
	_ =	swait.ge [sflag:s5], $0x10  }
0x36: {  	[sflag:s5] =	ssyncset.done $0x0  }
0x37: {  	[sflag:s5] =	ssyncadd.s32 $0xFFFFFFF0  }
0x38: {  	[tilespmem:s3], [sflag:$0x2] =	stream.linear.gather [hbm4b:s4+s3], $0x40, $0x38;
	[tilespmem:$0x2180] =	vst v63  }
0x39: {  	_ =	swait.ge [sflag:s5], $0x40  }
0x3a: {  	[sflag:s5] =	ssyncset.done $0x0  }
0x3b: {  	[sflag:s5] =	ssyncadd.s32 $0xFFFFFFC0  }
0x3c: {  	v9 =	vld [tilespmem:$0x20]  }
0x3d: {  	v10 =	vld [tilespmem:$0x0]  }
0x3e: {  	v11 =	vld [tilespmem:$0x30]  }
0x3f: {  	v12 =	vld [tilespmem:$0x10];
	_ =	sdelay $0x1  }
0x40: {  	v9 =	vshra.s32 v9, $0x4  }
0x41: {  	v10 =	vshra.s32 v10, $0x4;
	v9 =	vand.u32 $0xFFFFFFF8, v9  }
0x42: {  	v10 =	vand.u32 $0xFFFFFFF8, v10;
	v9 =	vadd.s32 v1, v9;
	v11 =	vshra.s32 v11, $0x4  }
0x43: {  	v10 =	vadd.s32 v0, v10;
	v12 =	vshra.s32 v12, $0x4;
	[tilespmem:$0xA0] =	vst v9;
	v9 =	vand.u32 $0xFFFFFFF8, v11  }
0x44: {  	[tilespmem:$0x80] =	vst v10;
	v10 =	vand.u32 $0xFFFFFFF8, v12;
	v9 =	vadd.s32 v2, v9  }
0x45: {  	v10 =	vadd.s32 v4, v10;
	v9 =	vsel vm0, v9, v3  }
0x46: {  	[tilespmem:$0xB0] =	vst v9  }
0x47: {  	[tilespmem:$0x90] =	vst v10  }
0x48: {  	[tilespmem:s8], [sflag:$0x1] =	stream.indirect.gather [hbm4b:s2+s6], $0x80, s7, s6, $0xb8;
	[tilespmem:$0x2180] =	vst v63  }
0x49: {  	_ =	swait.ge [sflag:s9], $0x2000  }
0x4a: {  	[sflag:s9] =	ssyncset.done $0x0  }
0x4b: {  	[sflag:s9] =	ssyncadd.s32 $0xFFFFE000  }
0x4c: {  	v9 =	vld [tilespmem:$0x0]  }
0x4d: {  	v10 =	vld [tilespmem:$0x10]  }
0x4e: {  	v11 =	vld [tilespmem:$0x20]  }
0x4f: {  	v12 =	vld [tilespmem:$0x30];
	_ =	sdelay $0x1  }
0x50: {  	v13 =	vand.u32 $0x7F, v9  }
0x51: {  	v13 =	vor.u32 v5, v13;
	v14 =	vand.u32 $0x7F, v10  }
0x52: {  	v14 =	vor.u32 v6, v14;
	v15 =	vand.u32 $0x7F, v11  }
0x53: {  	v15 =	vor.u32 v7, v15;
	v16 =	vand.u32 $0x7F, v12;
	vm1 =	vne.s32 v12, $0x0  }
0x54: {  	v12 =	vnsel vm0, $0x0, v16  }
0x55: {  	v12 =	vor.u32 v8, v12  }
0x56: {  	v13 =	vld.idx.msk [tilespmem:v13+s8+$0x0], $0xffff  }
0x57: {  	v14 =	vld.idx.msk [tilespmem:v14+s8+$0x0], $0xffff  }
0x58: {  	v15 =	vld.idx.msk [tilespmem:v15+s8+$0x0], $0xffff;
	_ =	sdelay $0x1  }
0x59: {  	v12 =	vld.idx.msk [tilespmem:v12+s8+$0x0], $0xffff;
	_ =	sdelay $0x1  }
0x5a: {  	vm2 =	veq.s32 v9, $0x0;
	vm3 =	veq.s32 v10, $0x0;
	v9 =	vsub.f32 $0.0e+00, v13  }
0x5b: {  	v10 =	vsel vm3, $0x0, v14  }
0x5c: {  	v9 =	vsel vm2, $0x0, v9;
	vm2 =	veq.s32 v11, $0x0  }
0x5d: {  	v9 =	vsub.f32 v9, v10;
	v10 =	vsel vm2, $0x0, v15  }
0x5e: {  	vm1 =	vmand vm1, vm0  }
.Ltmp1:
0x5f: {  	v9 =	vsub.f32 v9, v10;
	v10 =	vnsel vm1, $0x0, v12;
	(pc) =	sbr.rel @p0 .LBB2_1-.Ltmp1, $3  }
0x60: {  	_ = 	snop  }
0x61: {  	v9 =	vsub.f32 v9, v10;
	_ =	sdelay $0x1  }
0x62: {  	[tilespmem:$0x100] =	vst v9  }
.LBB2_2:
0x63: {  	[hbm4b:s10+s3] =	stream.linear.scatter [tilespmem:s11], [sflag:$0x2], $0x10, $0x38;
	[tilespmem:$0x2180] =	vst v63  }
0x64: {  	_ =	swait.ge [sflag:s5], $0x10  }
0x65: {  	[sflag:s5] =	ssyncset.done $0x0  }
0x66: {  	[sflag:s5] =	ssyncadd.s32 $0xFFFFFFF0  }
0x67: {  	_ =	sfence.sel $0x180000  }
0x68: {  	[bflag:$0x0] =	sbarrier.arrive $0xFFFF  }
0x69: {  	p0 =	sne.s32 s0, $0x0;
	_ =	strace $0x90000047  }
0x6a: {  	s0 =	sadd.s32 @!p0 $0x100000, s1;
	[bflag:$0x2] =	sbarrier.arrive $0xFFFF  }
0x6b: {  	[sflag:s0] =	ssyncadd.tile.s32 @!p0 $0x1;
	_ =	shalt  }
.Lfunc_end2:
_tile_overlayer_lowered:
.L_overlay_start_2:
0x6c: {  	(tag) =	ssettag $0x2  }
0x6d: {  	s0 =	rddreg [dreg:$0x0];
	s2 =	stileid.u32  }
0x6e: {  	s1 =	rddreg [dreg:$0x1];
	p0 =	sne.s32 s2, $0x0  }
0x6f: {  	s3 =	rddreg [dreg:$0x2];
	[bflag:$0x3] =	sbarrier.arrive $0xFFFF;
	s2 =	simm.s32 @!p0 $0x1C02  }
0x70: {  	[timem:s3], [sflag:s2] =	dma.local @!p0 [hbm:s0], s1  }
0x71: {  	s0 =	simm.s32 @!p0 $0x2  }
0x72: {  	_ =	swait.ge @!p0 [sflag:s0], s1  }
0x73: {  	s1 =	ssub.s32 @!p0 $0x0, s1;
	[sflag:s0] =	ssyncset.done @!p0 $0x0  }
0x74: {  	[sflag:s0] =	ssyncadd.s32 @!p0 s1  }
0x75: {  	[bflag:$0x3] =	sbarrier.arrive $0xFFFF  }
0x76: {  	_ =	shalt  }

</sc_bundles>
